<compile_context>
chip_gen: v7x
topology: tpu7x:2x2x1
jax: 0.10.2.dev20260603
libtpu: 0.0.44.dev20260713+nightly
codegen_flags: <defaults>
</compile_context>

<pallas_src>
import functools

import jax
import jax.numpy as jnp
from jax import lax
from jax.experimental import pallas as pl
from jax.experimental.pallas import tpu as pltpu
from jax.experimental.pallas import tpu_sc as plsc

BATCH = 4096
SEQ = 200
DIM = 64
NTOT = BATCH * SEQ
HALF = BATCH // 2

_info = plsc.get_sparse_core_info()
NC = _info.num_cores
NS = _info.num_subcores
NW = NC * NS
B_PER_W = NTOT // NW
CHUNK = 512
NCHUNK = B_PER_W // CHUNK
NPAIR = NCHUNK // 2

_mesh = plsc.VectorSubcoreMesh(core_axis_name="c", subcore_axis_name="s")


@functools.partial(
    pl.kernel,
    mesh=_mesh,
    out_type=jax.ShapeDtypeStruct((NTOT, DIM), jnp.float32),
    scratch_types=[
        pltpu.VMEM((B_PER_W,), jnp.int32),
        pltpu.VMEM((2, CHUNK, DIM), jnp.float32),
        pltpu.SemaphoreType.DMA,
        pltpu.SemaphoreType.DMA,
        pltpu.SemaphoreType.DMA,
        pltpu.SemaphoreType.DMA,
    ],
    compiler_params=pltpu.CompilerParams(use_tc_tiling_on_sc=False),
)
def _gather_kernel(y_hbm, tab_hbm, out_hbm, idx_v, rows_v, sg0, sg1, sw0, sw1):
    wid = lax.axis_index("s") * NC + lax.axis_index("c")
    base = wid * B_PER_W
    sem_g = (sg0, sg1)
    sem_w = (sw0, sw1)

    pltpu.sync_copy(y_hbm.at[pl.ds(base, B_PER_W)], idx_v)

    def issue_gather(i, b):
        pltpu.async_copy(
            tab_hbm.at[idx_v.at[pl.ds(i * CHUNK, CHUNK)]],
            rows_v.at[b],
            sem_g[b],
        )

    def wait_gather(i, b):
        pltpu.make_async_copy(
            tab_hbm.at[idx_v.at[pl.ds(i * CHUNK, CHUNK)]],
            rows_v.at[b],
            sem_g[b],
        ).wait()

    def issue_wb(i, b):
        pltpu.async_copy(
            rows_v.at[b],
            out_hbm.at[pl.ds(base + i * CHUNK, CHUNK)],
            sem_w[b],
        )

    def wait_wb(b):
        pltpu.make_async_copy(
            rows_v.at[b],
            out_hbm.at[pl.ds(base, CHUNK)],
            sem_w[b],
        ).wait()

    def steady_step(i, b):
        wait_wb(1 - b)
        issue_gather(i + 1, 1 - b)
        wait_gather(i, b)
        issue_wb(i, b)

    issue_gather(0, 0)
    issue_gather(1, 1)
    wait_gather(0, 0)
    issue_wb(0, 0)

    def pair_body(j, carry):
        steady_step(2 * j + 1, 1)
        steady_step(2 * j + 2, 0)
        return carry

    lax.fori_loop(0, NPAIR - 1, pair_body, 0)

    wait_wb(0)
    wait_gather(NCHUNK - 1, 1)
    issue_wb(NCHUNK - 1, 1)
    wait_wb(1)


SPP = 4


def _transpose_body(g_ref, out_ref):
    xt = g_ref[...].T
    for p in range(SPP):
        for h in range(2):
            out_ref[p, :, h * HALF:(h + 1) * HALF] = xt[
                h * DIM:(h + 1) * DIM, p * HALF:(p + 1) * HALF
            ]


_transpose_call = pl.pallas_call(
    _transpose_body,
    grid=(SEQ // SPP,),
    in_specs=[pl.BlockSpec((SPP * HALF, 2 * DIM), lambda s: (s, 0))],
    out_specs=pl.BlockSpec((SPP, DIM, BATCH), lambda s: (s, 0, 0)),
    out_shape=jax.ShapeDtypeStruct((SEQ, DIM, BATCH), jnp.float32),
)


def kernel(y, table):
    y2 = y.reshape(2, HALF, SEQ)
    yf = y2.transpose(2, 1, 0).reshape(NTOT).astype(jnp.int32)
    g = _gather_kernel(yf, table)
    g2 = g.reshape(NTOT // 2, 2 * DIM)
    out3 = _transpose_call(g2)
    return jnp.transpose(out3, (2, 0, 1))

# --- scband reference (transcript-rebuilt; emitter-appended) ---
"""Pipeline reference for scband-dummy-text-encoder-87935160418476 (READ-ONLY COPY).

The authoritative reference and input builder live on the scoring server;
editing this copy changes nothing except your own understanding.
"""

import jax, jax.numpy as jnp
import numpy as np

VOCAB = 100000
SEQ = 200
DIM = 64
BATCH = 4096

def setup_inputs(seed: int = 0) -> dict:
    key = jax.random.key(seed)
    k_idx, k_tab = jax.random.split(key)
    y = jax.random.randint(k_idx, (BATCH, SEQ), 0, VOCAB, dtype=jnp.int64 if jax.config.jax_enable_x64 else jnp.int32)
    table = jax.random.normal(k_tab, (VOCAB, DIM), dtype=jnp.float32)
    return {"y": y, "table": table}

def reference(y, table):
    # DummyTextEncoder.forward(y, pool=False)
    if y.ndim == 1:
        y = y[None, :]
    emb = jnp.take(table, y, axis=0)  # [B, S, D]
    return emb

if __name__ == "__main__":
    import jax
    _d = setup_inputs()
    print(jax.jit(kernel)(*tuple(_d.values())))

</pallas_src>

<mosaic_0001>
#map = affine_map<(d0, d1) -> (0)>
#map1 = affine_map<(d0, d1) -> (0, 0)>
module attributes {stable_mosaic.version = 14 : i64} {
  func.func @_gather_kernel(%arg0: i32, %arg1: i32, %arg2: memref<819200xi32, #tpu.memory_space<hbm>>, %arg3: memref<100000x64xf32, #tpu.memory_space<hbm>>, %arg4: memref<819200x64xf32, #tpu.memory_space<hbm>>, %arg5: memref<25600xi32, #tpu.memory_space<vmem>>, %arg6: memref<2x512x64xf32, #tpu.memory_space<vmem>>, %arg7: memref<!tpu.dma_semaphore, #tpu.memory_space<semaphore_mem>>, %arg8: memref<!tpu.dma_semaphore, #tpu.memory_space<semaphore_mem>>, %arg9: memref<!tpu.dma_semaphore, #tpu.memory_space<semaphore_mem>>, %arg10: memref<!tpu.dma_semaphore, #tpu.memory_space<semaphore_mem>>) attributes {dimension_semantics = [#tpu.dimension_semantics<core_parallel>, #tpu.dimension_semantics<subcore_parallel>], iteration_bounds = array<i64: 2, 16>, scalar_prefetch = 0 : i64, scratch_operands = 6 : i64, tpu.core_type = #tpu.core_type<sc_vector_subcore>, window_params = [{transform_indices = #map}, {transform_indices = #map1}, {transform_indices = #map1}]} {
    %mul3A = arith.constant 2 : i32
    %mul3A_0 = arith.muli %arg1, %mul3A : i32
    %add3A = arith.addi %mul3A_0, %arg0 : i32
    %mul3A_1 = arith.constant 25600 : i32
    %mul3A_2 = arith.muli %add3A, %mul3A_1 : i32
    "tpu.region"() ({
      %run_scoped3A = tpu.sem_alloc : memref<!tpu.dma_semaphore, #tpu.memory_space<semaphore_mem>>
      %dma_start3A_102 = tpu.memref_slice %arg2[%mul3A_2] : memref<819200xi32, #tpu.memory_space<hbm>> -> memref<25600xi32, #tpu.memory_space<hbm>>
      %dma_start3A_103 = tpu.memref_slice %arg2[%mul3A_2] : memref<819200xi32, #tpu.memory_space<hbm>> -> memref<25600xi32, #tpu.memory_space<hbm>>
      tpu.enqueue_dma source(%dma_start3A_103 : memref<25600xi32, #tpu.memory_space<hbm>>) target(%arg5 : memref<25600xi32, #tpu.memory_space<vmem>>) target_semaphore(%run_scoped3A : memref<!tpu.dma_semaphore, #tpu.memory_space<semaphore_mem>>)
      %dma_wait3A_104 = tpu.memref_slice %arg2[%mul3A_2] : memref<819200xi32, #tpu.memory_space<hbm>> -> memref<25600xi32, #tpu.memory_space<hbm>>
      %dma_wait3A_105 = tpu.memref_slice %arg2[%mul3A_2] : memref<819200xi32, #tpu.memory_space<hbm>> -> memref<25600xi32, #tpu.memory_space<hbm>>
      tpu.wait_dma2 semaphore(%run_scoped3A : memref<!tpu.dma_semaphore, #tpu.memory_space<semaphore_mem>>) src(%dma_wait3A_105 : memref<25600xi32, #tpu.memory_space<hbm>>) dst(%arg5 : memref<25600xi32, #tpu.memory_space<vmem>>)
      tpu.yield
    }) : () -> ()
    %dma_start3A = arith.constant 0 : i32
    %dma_start3A_3 = arith.constant 0 : i32
    %dma_start3A_4 = arith.constant 0 : i32
    %dma_start3A_5 = tpu.memref_slice %arg6[%dma_start3A, %dma_start3A_3, %dma_start3A_4] : memref<2x512x64xf32, #tpu.memory_space<vmem>> -> memref<1x512x64xf32, #tpu.memory_space<vmem>>
    %dma_start3A_6 = tpu.memref_squeeze %dma_start3A_5 : memref<1x512x64xf32, #tpu.memory_space<vmem>> -> memref<512x64xf32, #tpu.memory_space<vmem>>
    %dma_start3A_7 = arith.constant 0 : i32
    %dma_start3A_8 = tpu.memref_slice %arg5[%dma_start3A_7] : memref<25600xi32, #tpu.memory_space<vmem>> -> memref<512xi32, #tpu.memory_space<vmem>>
    %dma_start3A_9 = arith.constant 0 : i32
    %dma_start3A_10 = arith.constant 0 : i32
    %dma_start3A_11 = tpu.memref_slice %arg3[%dma_start3A_9, %dma_start3A_10] : memref<100000x64xf32, #tpu.memory_space<hbm>> -> memref<100000x64xf32, #tpu.memory_space<hbm>>
    tpu.enqueue_indirect_dma source(%dma_start3A_11 : memref<100000x64xf32, #tpu.memory_space<hbm>>) target(%dma_start3A_6 : memref<512x64xf32, #tpu.memory_space<vmem>>) offsets(%dma_start3A_8 : memref<512xi32, #tpu.memory_space<vmem>>) semaphore(%arg7 : memref<!tpu.dma_semaphore, #tpu.memory_space<semaphore_mem>>)
    %dma_start3A_12 = arith.constant 1 : i32
    %dma_start3A_13 = arith.constant 0 : i32
    %dma_start3A_14 = arith.constant 0 : i32
    %dma_start3A_15 = tpu.memref_slice %arg6[%dma_start3A_12, %dma_start3A_13, %dma_start3A_14] : memref<2x512x64xf32, #tpu.memory_space<vmem>> -> memref<1x512x64xf32, #tpu.memory_space<vmem>>
    %dma_start3A_16 = tpu.memref_squeeze %dma_start3A_15 : memref<1x512x64xf32, #tpu.memory_space<vmem>> -> memref<512x64xf32, #tpu.memory_space<vmem>>
    %dma_start3A_17 = arith.constant 512 : i32
    %dma_start3A_18 = tpu.memref_slice %arg5[%dma_start3A_17] : memref<25600xi32, #tpu.memory_space<vmem>> -> memref<512xi32, #tpu.memory_space<vmem>>
    %dma_start3A_19 = arith.constant 0 : i32
    %dma_start3A_20 = arith.constant 0 : i32
    %dma_start3A_21 = tpu.memref_slice %arg3[%dma_start3A_19, %dma_start3A_20] : memref<100000x64xf32, #tpu.memory_space<hbm>> -> memref<100000x64xf32, #tpu.memory_space<hbm>>
    tpu.enqueue_indirect_dma source(%dma_start3A_21 : memref<100000x64xf32, #tpu.memory_space<hbm>>) target(%dma_start3A_16 : memref<512x64xf32, #tpu.memory_space<vmem>>) offsets(%dma_start3A_18 : memref<512xi32, #tpu.memory_space<vmem>>) semaphore(%arg8 : memref<!tpu.dma_semaphore, #tpu.memory_space<semaphore_mem>>)
    %dma_wait3A = arith.constant 0 : i32
    %dma_wait3A_22 = arith.constant 0 : i32
    %dma_wait3A_23 = arith.constant 0 : i32
    %dma_wait3A_24 = tpu.memref_slice %arg6[%dma_wait3A, %dma_wait3A_22, %dma_wait3A_23] : memref<2x512x64xf32, #tpu.memory_space<vmem>> -> memref<1x512x64xf32, #tpu.memory_space<vmem>>
    %dma_wait3A_25 = tpu.memref_squeeze %dma_wait3A_24 : memref<1x512x64xf32, #tpu.memory_space<vmem>> -> memref<512x64xf32, #tpu.memory_space<vmem>>
    %dma_wait3A_26 = arith.constant 0 : i32
    %dma_wait3A_27 = tpu.memref_slice %arg5[%dma_wait3A_26] : memref<25600xi32, #tpu.memory_space<vmem>> -> memref<512xi32, #tpu.memory_space<vmem>>
    %dma_wait3A_28 = arith.constant 0 : i32
    %dma_wait3A_29 = arith.constant 0 : i32
    %dma_wait3A_30 = tpu.memref_slice %arg3[%dma_wait3A_28, %dma_wait3A_29] : memref<100000x64xf32, #tpu.memory_space<hbm>> -> memref<100000x64xf32, #tpu.memory_space<hbm>>
    tpu.wait_indirect_dma semaphore(%arg7 : memref<!tpu.dma_semaphore, #tpu.memory_space<semaphore_mem>>) src(%dma_wait3A_30 : memref<100000x64xf32, #tpu.memory_space<hbm>>) dst(%dma_wait3A_25 : memref<512x64xf32, #tpu.memory_space<vmem>>)
    %add3A_31 = arith.constant 0 : i32
    %add3A_32 = arith.addi %mul3A_2, %add3A_31 : i32
    %dma_start3A_33 = arith.constant 0 : i32
    %dma_start3A_34 = arith.constant 0 : i32
    %dma_start3A_35 = arith.constant 0 : i32
    %dma_start3A_36 = tpu.memref_slice %arg6[%dma_start3A_33, %dma_start3A_34, %dma_start3A_35] : memref<2x512x64xf32, #tpu.memory_space<vmem>> -> memref<1x512x64xf32, #tpu.memory_space<vmem>>
    %dma_start3A_37 = tpu.memref_squeeze %dma_start3A_36 : memref<1x512x64xf32, #tpu.memory_space<vmem>> -> memref<512x64xf32, #tpu.memory_space<vmem>>
    %dma_start3A_38 = arith.constant 0 : i32
    %dma_start3A_39 = tpu.memref_slice %arg4[%add3A_32, %dma_start3A_38] : memref<819200x64xf32, #tpu.memory_space<hbm>> -> memref<512x64xf32, #tpu.memory_space<hbm>>
    %dma_start3A_40 = arith.constant 0 : i32
    %dma_start3A_41 = tpu.memref_slice %arg4[%add3A_32, %dma_start3A_40] : memref<819200x64xf32, #tpu.memory_space<hbm>> -> memref<512x64xf32, #tpu.memory_space<hbm>>
    %dma_start3A_42 = arith.constant 0 : i32
    %dma_start3A_43 = arith.constant 0 : i32
    %dma_start3A_44 = tpu.memref_slice %arg6[%dma_start3A_33, %dma_start3A_42, %dma_start3A_43] : memref<2x512x64xf32, #tpu.memory_space<vmem>> -> memref<1x512x64xf32, #tpu.memory_space<vmem>>
    %dma_start3A_45 = tpu.memref_squeeze %dma_start3A_44 : memref<1x512x64xf32, #tpu.memory_space<vmem>> -> memref<512x64xf32, #tpu.memory_space<vmem>>
    tpu.enqueue_dma source(%dma_start3A_45 : memref<512x64xf32, #tpu.memory_space<vmem>>) target(%dma_start3A_41 : memref<512x64xf32, #tpu.memory_space<hbm>>) target_semaphore(%arg9 : memref<!tpu.dma_semaphore, #tpu.memory_space<semaphore_mem>>)
    %scan3A = arith.constant 0 : i32
    %scan3A_46 = arith.constant 0 : i32
    %scan3A_47 = arith.constant 24 : i32
    %scan3A_48 = arith.addi %scan3A_46, %scan3A_47 : i32
    %scan3A_49 = arith.constant 1 : i32
    scf.for %scan3A_102 = %scan3A_46 to %scan3A_48 step %scan3A_49  : i32 {
      %mul3A_103 = arith.constant 2 : i32
      %mul3A_104 = arith.muli %mul3A_103, %scan3A_102 : i32
      %add3A_105 = arith.constant 1 : i32
      %add3A_106 = arith.addi %mul3A_104, %add3A_105 : i32
      %dma_wait3A_107 = arith.constant 0 : i32
      %dma_wait3A_108 = arith.constant 0 : i32
      %dma_wait3A_109 = arith.constant 0 : i32
      %dma_wait3A_110 = tpu.memref_slice %arg6[%dma_wait3A_107, %dma_wait3A_108, %dma_wait3A_109] : memref<2x512x64xf32, #tpu.memory_space<vmem>> -> memref<1x512x64xf32, #tpu.memory_space<vmem>>
      %dma_wait3A_111 = tpu.memref_squeeze %dma_wait3A_110 : memref<1x512x64xf32, #tpu.memory_space<vmem>> -> memref<512x64xf32, #tpu.memory_space<vmem>>
      %dma_wait3A_112 = arith.constant 0 : i32
      %dma_wait3A_113 = tpu.memref_slice %arg4[%mul3A_2, %dma_wait3A_112] : memref<819200x64xf32, #tpu.memory_space<hbm>> -> memref<512x64xf32, #tpu.memory_space<hbm>>
      %dma_wait3A_114 = arith.constant 0 : i32
      %dma_wait3A_115 = tpu.memref_slice %arg4[%mul3A_2, %dma_wait3A_114] : memref<819200x64xf32, #tpu.memory_space<hbm>> -> memref<512x64xf32, #tpu.memory_space<hbm>>
      %dma_wait3A_116 = arith.constant 0 : i32
      %dma_wait3A_117 = arith.constant 0 : i32
      %dma_wait3A_118 = tpu.memref_slice %arg6[%dma_wait3A_107, %dma_wait3A_116, %dma_wait3A_117] : memref<2x512x64xf32, #tpu.memory_space<vmem>> -> memref<1x512x64xf32, #tpu.memory_space<vmem>>
      %dma_wait3A_119 = tpu.memref_squeeze %dma_wait3A_118 : memref<1x512x64xf32, #tpu.memory_space<vmem>> -> memref<512x64xf32, #tpu.memory_space<vmem>>
      tpu.wait_dma2 semaphore(%arg9 : memref<!tpu.dma_semaphore, #tpu.memory_space<semaphore_mem>>) src(%dma_wait3A_119 : memref<512x64xf32, #tpu.memory_space<vmem>>) dst(%dma_wait3A_115 : memref<512x64xf32, #tpu.memory_space<hbm>>)
      %add3A_120 = arith.constant 1 : i32
      %add3A_121 = arith.addi %add3A_106, %add3A_120 : i32
      %mul3A_122 = arith.constant 512 : i32
      %mul3A_123 = arith.muli %add3A_121, %mul3A_122 : i32
      %dma_start3A_124 = arith.constant 0 : i32
      %dma_start3A_125 = arith.constant 0 : i32
      %dma_start3A_126 = arith.constant 0 : i32
      %dma_start3A_127 = tpu.memref_slice %arg6[%dma_start3A_124, %dma_start3A_125, %dma_start3A_126] : memref<2x512x64xf32, #tpu.memory_space<vmem>> -> memref<1x512x64xf32, #tpu.memory_space<vmem>>
      %dma_start3A_128 = tpu.memref_squeeze %dma_start3A_127 : memref<1x512x64xf32, #tpu.memory_space<vmem>> -> memref<512x64xf32, #tpu.memory_space<vmem>>
      %dma_start3A_129 = tpu.memref_slice %arg5[%mul3A_123] : memref<25600xi32, #tpu.memory_space<vmem>> -> memref<512xi32, #tpu.memory_space<vmem>>
      %dma_start3A_130 = arith.constant 0 : i32
      %dma_start3A_131 = arith.constant 0 : i32
      %dma_start3A_132 = tpu.memref_slice %arg3[%dma_start3A_130, %dma_start3A_131] : memref<100000x64xf32, #tpu.memory_space<hbm>> -> memref<100000x64xf32, #tpu.memory_space<hbm>>
      tpu.enqueue_indirect_dma source(%dma_start3A_132 : memref<100000x64xf32, #tpu.memory_space<hbm>>) target(%dma_start3A_128 : memref<512x64xf32, #tpu.memory_space<vmem>>) offsets(%dma_start3A_129 : memref<512xi32, #tpu.memory_space<vmem>>) semaphore(%arg7 : memref<!tpu.dma_semaphore, #tpu.memory_space<semaphore_mem>>)
      %mul3A_133 = arith.constant 512 : i32
      %mul3A_134 = arith.muli %add3A_106, %mul3A_133 : i32
      %dma_wait3A_135 = arith.constant 1 : i32
      %dma_wait3A_136 = arith.constant 0 : i32
      %dma_wait3A_137 = arith.constant 0 : i32
      %dma_wait3A_138 = tpu.memref_slice %arg6[%dma_wait3A_135, %dma_wait3A_136, %dma_wait3A_137] : memref<2x512x64xf32, #tpu.memory_space<vmem>> -> memref<1x512x64xf32, #tpu.memory_space<vmem>>
      %dma_wait3A_139 = tpu.memref_squeeze %dma_wait3A_138 : memref<1x512x64xf32, #tpu.memory_space<vmem>> -> memref<512x64xf32, #tpu.memory_space<vmem>>
      %dma_wait3A_140 = tpu.memref_slice %arg5[%mul3A_134] : memref<25600xi32, #tpu.memory_space<vmem>> -> memref<512xi32, #tpu.memory_space<vmem>>
      %dma_wait3A_141 = arith.constant 0 : i32
      %dma_wait3A_142 = arith.constant 0 : i32
      %dma_wait3A_143 = tpu.memref_slice %arg3[%dma_wait3A_141, %dma_wait3A_142] : memref<100000x64xf32, #tpu.memory_space<hbm>> -> memref<100000x64xf32, #tpu.memory_space<hbm>>
      tpu.wait_indirect_dma semaphore(%arg8 : memref<!tpu.dma_semaphore, #tpu.memory_space<semaphore_mem>>) src(%dma_wait3A_143 : memref<100000x64xf32, #tpu.memory_space<hbm>>) dst(%dma_wait3A_139 : memref<512x64xf32, #tpu.memory_space<vmem>>)
      %mul3A_144 = arith.constant 512 : i32
      %mul3A_145 = arith.muli %add3A_106, %mul3A_144 : i32
      %add3A_146 = arith.addi %mul3A_2, %mul3A_145 : i32
      %dma_start3A_147 = arith.constant 1 : i32
      %dma_start3A_148 = arith.constant 0 : i32
      %dma_start3A_149 = arith.constant 0 : i32
      %dma_start3A_150 = tpu.memref_slice %arg6[%dma_start3A_147, %dma_start3A_148, %dma_start3A_149] : memref<2x512x64xf32, #tpu.memory_space<vmem>> -> memref<1x512x64xf32, #tpu.memory_space<vmem>>
      %dma_start3A_151 = tpu.memref_squeeze %dma_start3A_150 : memref<1x512x64xf32, #tpu.memory_space<vmem>> -> memref<512x64xf32, #tpu.memory_space<vmem>>
      %dma_start3A_152 = arith.constant 0 : i32
      %dma_start3A_153 = tpu.memref_slice %arg4[%add3A_146, %dma_start3A_152] : memref<819200x64xf32, #tpu.memory_space<hbm>> -> memref<512x64xf32, #tpu.memory_space<hbm>>
      %dma_start3A_154 = arith.constant 0 : i32
      %dma_start3A_155 = tpu.memref_slice %arg4[%add3A_146, %dma_start3A_154] : memref<819200x64xf32, #tpu.memory_space<hbm>> -> memref<512x64xf32, #tpu.memory_space<hbm>>
      %dma_start3A_156 = arith.constant 0 : i32
      %dma_start3A_157 = arith.constant 0 : i32
      %dma_start3A_158 = tpu.memref_slice %arg6[%dma_start3A_147, %dma_start3A_156, %dma_start3A_157] : memref<2x512x64xf32, #tpu.memory_space<vmem>> -> memref<1x512x64xf32, #tpu.memory_space<vmem>>
      %dma_start3A_159 = tpu.memref_squeeze %dma_start3A_158 : memref<1x512x64xf32, #tpu.memory_space<vmem>> -> memref<512x64xf32, #tpu.memory_space<vmem>>
      tpu.enqueue_dma source(%dma_start3A_159 : memref<512x64xf32, #tpu.memory_space<vmem>>) target(%dma_start3A_155 : memref<512x64xf32, #tpu.memory_space<hbm>>) target_semaphore(%arg10 : memref<!tpu.dma_semaphore, #tpu.memory_space<semaphore_mem>>)
      %mul3A_160 = arith.constant 2 : i32
      %mul3A_161 = arith.muli %mul3A_160, %scan3A_102 : i32
      %add3A_162 = arith.constant 2 : i32
      %add3A_163 = arith.addi %mul3A_161, %add3A_162 : i32
      %dma_wait3A_164 = arith.constant 1 : i32
      %dma_wait3A_165 = arith.constant 0 : i32
      %dma_wait3A_166 = arith.constant 0 : i32
      %dma_wait3A_167 = tpu.memref_slice %arg6[%dma_wait3A_164, %dma_wait3A_165, %dma_wait3A_166] : memref<2x512x64xf32, #tpu.memory_space<vmem>> -> memref<1x512x64xf32, #tpu.memory_space<vmem>>
      %dma_wait3A_168 = tpu.memref_squeeze %dma_wait3A_167 : memref<1x512x64xf32, #tpu.memory_space<vmem>> -> memref<512x64xf32, #tpu.memory_space<vmem>>
      %dma_wait3A_169 = arith.constant 0 : i32
      %dma_wait3A_170 = tpu.memref_slice %arg4[%mul3A_2, %dma_wait3A_169] : memref<819200x64xf32, #tpu.memory_space<hbm>> -> memref<512x64xf32, #tpu.memory_space<hbm>>
      %dma_wait3A_171 = arith.constant 0 : i32
      %dma_wait3A_172 = tpu.memref_slice %arg4[%mul3A_2, %dma_wait3A_171] : memref<819200x64xf32, #tpu.memory_space<hbm>> -> memref<512x64xf32, #tpu.memory_space<hbm>>
      %dma_wait3A_173 = arith.constant 0 : i32
      %dma_wait3A_174 = arith.constant 0 : i32
      %dma_wait3A_175 = tpu.memref_slice %arg6[%dma_wait3A_164, %dma_wait3A_173, %dma_wait3A_174] : memref<2x512x64xf32, #tpu.memory_space<vmem>> -> memref<1x512x64xf32, #tpu.memory_space<vmem>>
      %dma_wait3A_176 = tpu.memref_squeeze %dma_wait3A_175 : memref<1x512x64xf32, #tpu.memory_space<vmem>> -> memref<512x64xf32, #tpu.memory_space<vmem>>
      tpu.wait_dma2 semaphore(%arg10 : memref<!tpu.dma_semaphore, #tpu.memory_space<semaphore_mem>>) src(%dma_wait3A_176 : memref<512x64xf32, #tpu.memory_space<vmem>>) dst(%dma_wait3A_172 : memref<512x64xf32, #tpu.memory_space<hbm>>)
      %add3A_177 = arith.constant 1 : i32
      %add3A_178 = arith.addi %add3A_163, %add3A_177 : i32
      %mul3A_179 = arith.constant 512 : i32
      %mul3A_180 = arith.muli %add3A_178, %mul3A_179 : i32
      %dma_start3A_181 = arith.constant 1 : i32
      %dma_start3A_182 = arith.constant 0 : i32
      %dma_start3A_183 = arith.constant 0 : i32
      %dma_start3A_184 = tpu.memref_slice %arg6[%dma_start3A_181, %dma_start3A_182, %dma_start3A_183] : memref<2x512x64xf32, #tpu.memory_space<vmem>> -> memref<1x512x64xf32, #tpu.memory_space<vmem>>
      %dma_start3A_185 = tpu.memref_squeeze %dma_start3A_184 : memref<1x512x64xf32, #tpu.memory_space<vmem>> -> memref<512x64xf32, #tpu.memory_space<vmem>>
      %dma_start3A_186 = tpu.memref_slice %arg5[%mul3A_180] : memref<25600xi32, #tpu.memory_space<vmem>> -> memref<512xi32, #tpu.memory_space<vmem>>
      %dma_start3A_187 = arith.constant 0 : i32
      %dma_start3A_188 = arith.constant 0 : i32
      %dma_start3A_189 = tpu.memref_slice %arg3[%dma_start3A_187, %dma_start3A_188] : memref<100000x64xf32, #tpu.memory_space<hbm>> -> memref<100000x64xf32, #tpu.memory_space<hbm>>
      tpu.enqueue_indirect_dma source(%dma_start3A_189 : memref<100000x64xf32, #tpu.memory_space<hbm>>) target(%dma_start3A_185 : memref<512x64xf32, #tpu.memory_space<vmem>>) offsets(%dma_start3A_186 : memref<512xi32, #tpu.memory_space<vmem>>) semaphore(%arg8 : memref<!tpu.dma_semaphore, #tpu.memory_space<semaphore_mem>>)
      %mul3A_190 = arith.constant 512 : i32
      %mul3A_191 = arith.muli %add3A_163, %mul3A_190 : i32
      %dma_wait3A_192 = arith.constant 0 : i32
      %dma_wait3A_193 = arith.constant 0 : i32
      %dma_wait3A_194 = arith.constant 0 : i32
      %dma_wait3A_195 = tpu.memref_slice %arg6[%dma_wait3A_192, %dma_wait3A_193, %dma_wait3A_194] : memref<2x512x64xf32, #tpu.memory_space<vmem>> -> memref<1x512x64xf32, #tpu.memory_space<vmem>>
      %dma_wait3A_196 = tpu.memref_squeeze %dma_wait3A_195 : memref<1x512x64xf32, #tpu.memory_space<vmem>> -> memref<512x64xf32, #tpu.memory_space<vmem>>
      %dma_wait3A_197 = tpu.memref_slice %arg5[%mul3A_191] : memref<25600xi32, #tpu.memory_space<vmem>> -> memref<512xi32, #tpu.memory_space<vmem>>
      %dma_wait3A_198 = arith.constant 0 : i32
      %dma_wait3A_199 = arith.constant 0 : i32
      %dma_wait3A_200 = tpu.memref_slice %arg3[%dma_wait3A_198, %dma_wait3A_199] : memref<100000x64xf32, #tpu.memory_space<hbm>> -> memref<100000x64xf32, #tpu.memory_space<hbm>>
      tpu.wait_indirect_dma semaphore(%arg7 : memref<!tpu.dma_semaphore, #tpu.memory_space<semaphore_mem>>) src(%dma_wait3A_200 : memref<100000x64xf32, #tpu.memory_space<hbm>>) dst(%dma_wait3A_196 : memref<512x64xf32, #tpu.memory_space<vmem>>)
      %mul3A_201 = arith.constant 512 : i32
      %mul3A_202 = arith.muli %add3A_163, %mul3A_201 : i32
      %add3A_203 = arith.addi %mul3A_2, %mul3A_202 : i32
      %dma_start3A_204 = arith.constant 0 : i32
      %dma_start3A_205 = arith.constant 0 : i32
      %dma_start3A_206 = arith.constant 0 : i32
      %dma_start3A_207 = tpu.memref_slice %arg6[%dma_start3A_204, %dma_start3A_205, %dma_start3A_206] : memref<2x512x64xf32, #tpu.memory_space<vmem>> -> memref<1x512x64xf32, #tpu.memory_space<vmem>>
      %dma_start3A_208 = tpu.memref_squeeze %dma_start3A_207 : memref<1x512x64xf32, #tpu.memory_space<vmem>> -> memref<512x64xf32, #tpu.memory_space<vmem>>
      %dma_start3A_209 = arith.constant 0 : i32
      %dma_start3A_210 = tpu.memref_slice %arg4[%add3A_203, %dma_start3A_209] : memref<819200x64xf32, #tpu.memory_space<hbm>> -> memref<512x64xf32, #tpu.memory_space<hbm>>
      %dma_start3A_211 = arith.constant 0 : i32
      %dma_start3A_212 = tpu.memref_slice %arg4[%add3A_203, %dma_start3A_211] : memref<819200x64xf32, #tpu.memory_space<hbm>> -> memref<512x64xf32, #tpu.memory_space<hbm>>
      %dma_start3A_213 = arith.constant 0 : i32
      %dma_start3A_214 = arith.constant 0 : i32
      %dma_start3A_215 = tpu.memref_slice %arg6[%dma_start3A_204, %dma_start3A_213, %dma_start3A_214] : memref<2x512x64xf32, #tpu.memory_space<vmem>> -> memref<1x512x64xf32, #tpu.memory_space<vmem>>
      %dma_start3A_216 = tpu.memref_squeeze %dma_start3A_215 : memref<1x512x64xf32, #tpu.memory_space<vmem>> -> memref<512x64xf32, #tpu.memory_space<vmem>>
      tpu.enqueue_dma source(%dma_start3A_216 : memref<512x64xf32, #tpu.memory_space<vmem>>) target(%dma_start3A_212 : memref<512x64xf32, #tpu.memory_space<hbm>>) target_semaphore(%arg9 : memref<!tpu.dma_semaphore, #tpu.memory_space<semaphore_mem>>)
    }
    %scan3A_50 = arith.constant 24 : i32
    %dma_wait3A_51 = arith.constant 0 : i32
    %dma_wait3A_52 = arith.constant 0 : i32
    %dma_wait3A_53 = arith.constant 0 : i32
    %dma_wait3A_54 = tpu.memref_slice %arg6[%dma_wait3A_51, %dma_wait3A_52, %dma_wait3A_53] : memref<2x512x64xf32, #tpu.memory_space<vmem>> -> memref<1x512x64xf32, #tpu.memory_space<vmem>>
    %dma_wait3A_55 = tpu.memref_squeeze %dma_wait3A_54 : memref<1x512x64xf32, #tpu.memory_space<vmem>> -> memref<512x64xf32, #tpu.memory_space<vmem>>
    %dma_wait3A_56 = arith.constant 0 : i32
    %dma_wait3A_57 = tpu.memref_slice %arg4[%mul3A_2, %dma_wait3A_56] : memref<819200x64xf32, #tpu.memory_space<hbm>> -> memref<512x64xf32, #tpu.memory_space<hbm>>
    %dma_wait3A_58 = arith.constant 0 : i32
    %dma_wait3A_59 = tpu.memref_slice %arg4[%mul3A_2, %dma_wait3A_58] : memref<819200x64xf32, #tpu.memory_space<hbm>> -> memref<512x64xf32, #tpu.memory_space<hbm>>
    %dma_wait3A_60 = arith.constant 0 : i32
    %dma_wait3A_61 = arith.constant 0 : i32
    %dma_wait3A_62 = tpu.memref_slice %arg6[%dma_wait3A_51, %dma_wait3A_60, %dma_wait3A_61] : memref<2x512x64xf32, #tpu.memory_space<vmem>> -> memref<1x512x64xf32, #tpu.memory_space<vmem>>
    %dma_wait3A_63 = tpu.memref_squeeze %dma_wait3A_62 : memref<1x512x64xf32, #tpu.memory_space<vmem>> -> memref<512x64xf32, #tpu.memory_space<vmem>>
    tpu.wait_dma2 semaphore(%arg9 : memref<!tpu.dma_semaphore, #tpu.memory_space<semaphore_mem>>) src(%dma_wait3A_63 : memref<512x64xf32, #tpu.memory_space<vmem>>) dst(%dma_wait3A_59 : memref<512x64xf32, #tpu.memory_space<hbm>>)
    %dma_wait3A_64 = arith.constant 1 : i32
    %dma_wait3A_65 = arith.constant 0 : i32
    %dma_wait3A_66 = arith.constant 0 : i32
    %dma_wait3A_67 = tpu.memref_slice %arg6[%dma_wait3A_64, %dma_wait3A_65, %dma_wait3A_66] : memref<2x512x64xf32, #tpu.memory_space<vmem>> -> memref<1x512x64xf32, #tpu.memory_space<vmem>>
    %dma_wait3A_68 = tpu.memref_squeeze %dma_wait3A_67 : memref<1x512x64xf32, #tpu.memory_space<vmem>> -> memref<512x64xf32, #tpu.memory_space<vmem>>
    %dma_wait3A_69 = arith.constant 25088 : i32
    %dma_wait3A_70 = tpu.memref_slice %arg5[%dma_wait3A_69] : memref<25600xi32, #tpu.memory_space<vmem>> -> memref<512xi32, #tpu.memory_space<vmem>>
    %dma_wait3A_71 = arith.constant 0 : i32
    %dma_wait3A_72 = arith.constant 0 : i32
    %dma_wait3A_73 = tpu.memref_slice %arg3[%dma_wait3A_71, %dma_wait3A_72] : memref<100000x64xf32, #tpu.memory_space<hbm>> -> memref<100000x64xf32, #tpu.memory_space<hbm>>
    tpu.wait_indirect_dma semaphore(%arg8 : memref<!tpu.dma_semaphore, #tpu.memory_space<semaphore_mem>>) src(%dma_wait3A_73 : memref<100000x64xf32, #tpu.memory_space<hbm>>) dst(%dma_wait3A_68 : memref<512x64xf32, #tpu.memory_space<vmem>>)
    %add3A_74 = arith.constant 25088 : i32
    %add3A_75 = arith.addi %mul3A_2, %add3A_74 : i32
    %dma_start3A_76 = arith.constant 1 : i32
    %dma_start3A_77 = arith.constant 0 : i32
    %dma_start3A_78 = arith.constant 0 : i32
    %dma_start3A_79 = tpu.memref_slice %arg6[%dma_start3A_76, %dma_start3A_77, %dma_start3A_78] : memref<2x512x64xf32, #tpu.memory_space<vmem>> -> memref<1x512x64xf32, #tpu.memory_space<vmem>>
    %dma_start3A_80 = tpu.memref_squeeze %dma_start3A_79 : memref<1x512x64xf32, #tpu.memory_space<vmem>> -> memref<512x64xf32, #tpu.memory_space<vmem>>
    %dma_start3A_81 = arith.constant 0 : i32
    %dma_start3A_82 = tpu.memref_slice %arg4[%add3A_75, %dma_start3A_81] : memref<819200x64xf32, #tpu.memory_space<hbm>> -> memref<512x64xf32, #tpu.memory_space<hbm>>
    %dma_start3A_83 = arith.constant 0 : i32
    %dma_start3A_84 = tpu.memref_slice %arg4[%add3A_75, %dma_start3A_83] : memref<819200x64xf32, #tpu.memory_space<hbm>> -> memref<512x64xf32, #tpu.memory_space<hbm>>
    %dma_start3A_85 = arith.constant 0 : i32
    %dma_start3A_86 = arith.constant 0 : i32
    %dma_start3A_87 = tpu.memref_slice %arg6[%dma_start3A_76, %dma_start3A_85, %dma_start3A_86] : memref<2x512x64xf32, #tpu.memory_space<vmem>> -> memref<1x512x64xf32, #tpu.memory_space<vmem>>
    %dma_start3A_88 = tpu.memref_squeeze %dma_start3A_87 : memref<1x512x64xf32, #tpu.memory_space<vmem>> -> memref<512x64xf32, #tpu.memory_space<vmem>>
    tpu.enqueue_dma source(%dma_start3A_88 : memref<512x64xf32, #tpu.memory_space<vmem>>) target(%dma_start3A_84 : memref<512x64xf32, #tpu.memory_space<hbm>>) target_semaphore(%arg10 : memref<!tpu.dma_semaphore, #tpu.memory_space<semaphore_mem>>)
    %dma_wait3A_89 = arith.constant 1 : i32
    %dma_wait3A_90 = arith.constant 0 : i32
    %dma_wait3A_91 = arith.constant 0 : i32
    %dma_wait3A_92 = tpu.memref_slice %arg6[%dma_wait3A_89, %dma_wait3A_90, %dma_wait3A_91] : memref<2x512x64xf32, #tpu.memory_space<vmem>> -> memref<1x512x64xf32, #tpu.memory_space<vmem>>
    %dma_wait3A_93 = tpu.memref_squeeze %dma_wait3A_92 : memref<1x512x64xf32, #tpu.memory_space<vmem>> -> memref<512x64xf32, #tpu.memory_space<vmem>>
    %dma_wait3A_94 = arith.constant 0 : i32
    %dma_wait3A_95 = tpu.memref_slice %arg4[%mul3A_2, %dma_wait3A_94] : memref<819200x64xf32, #tpu.memory_space<hbm>> -> memref<512x64xf32, #tpu.memory_space<hbm>>
    %dma_wait3A_96 = arith.constant 0 : i32
    %dma_wait3A_97 = tpu.memref_slice %arg4[%mul3A_2, %dma_wait3A_96] : memref<819200x64xf32, #tpu.memory_space<hbm>> -> memref<512x64xf32, #tpu.memory_space<hbm>>
    %dma_wait3A_98 = arith.constant 0 : i32
    %dma_wait3A_99 = arith.constant 0 : i32
    %dma_wait3A_100 = tpu.memref_slice %arg6[%dma_wait3A_89, %dma_wait3A_98, %dma_wait3A_99] : memref<2x512x64xf32, #tpu.memory_space<vmem>> -> memref<1x512x64xf32, #tpu.memory_space<vmem>>
    %dma_wait3A_101 = tpu.memref_squeeze %dma_wait3A_100 : memref<1x512x64xf32, #tpu.memory_space<vmem>> -> memref<512x64xf32, #tpu.memory_space<vmem>>
    tpu.wait_dma2 semaphore(%arg10 : memref<!tpu.dma_semaphore, #tpu.memory_space<semaphore_mem>>) src(%dma_wait3A_101 : memref<512x64xf32, #tpu.memory_space<vmem>>) dst(%dma_wait3A_97 : memref<512x64xf32, #tpu.memory_space<hbm>>)
    return
  }
}

module attributes {stable_mosaic.version = 14 : i64} {
  func.func @_transpose_body(%arg0: i32, %arg1: memref<8192x128xf32, #tpu.memory_space<vmem>>, %arg2: memref<4x64x4096xf32, #tpu.memory_space<vmem>>) attributes {dimension_semantics = [#tpu.dimension_semantics<arbitrary>], iteration_bounds = array<i64: 50>, scalar_prefetch = 0 : i64, scratch_operands = 0 : i64, tpu.core_type = #tpu.core_type<tc>, window_params = [{transform_indices = @transform_0, window_bounds = array<i64: 8192, 128>}, {transform_indices = @transform_1, window_bounds = array<i64: 4, 64, 4096>}]} {
    %get3A = arith.constant 0 : index
    %get3A_0 = arith.constant 0 : index
    %get3A_1 = vector.load %arg1[%get3A, %get3A_0] : memref<8192x128xf32, #tpu.memory_space<vmem>>, vector<8192x128xf32>
    %transpose3A = tpu.transpose %get3A_1, [1, 0] : vector<8192x128xf32> -> vector<128x8192xf32>
    %slice3A = vector.extract_strided_slice %transpose3A {offsets = [0, 0], sizes = [64, 2048], strides = [1, 1]} : vector<128x8192xf32> to vector<64x2048xf32>
    %swap3A = arith.constant 0 : index
    %swap3A_2 = arith.constant 0 : index
    %swap3A_3 = arith.constant 0 : index
    %swap3A_4 = vector.load %arg2[%swap3A, %swap3A_2, %swap3A_3] : memref<4x64x4096xf32, #tpu.memory_space<vmem>>, vector<1x64x2048xf32>
    %swap3A_5 = vector.shape_cast %swap3A_4 : vector<1x64x2048xf32> to vector<64x2048xf32>
    %swap3A_6 = vector.shape_cast %slice3A : vector<64x2048xf32> to vector<1x64x2048xf32>
    tpu.vector_store %arg2[%swap3A, %swap3A_2, %swap3A_3], %swap3A_6 {strides = array<i32>} : memref<4x64x4096xf32, #tpu.memory_space<vmem>>, vector<1x64x2048xf32>,
    %slice3A_7 = vector.extract_strided_slice %transpose3A {offsets = [64, 0], sizes = [64, 2048], strides = [1, 1]} : vector<128x8192xf32> to vector<64x2048xf32>
    %swap3A_8 = arith.constant 0 : index
    %swap3A_9 = arith.constant 0 : index
    %swap3A_10 = arith.constant 2048 : index
    %swap3A_11 = vector.load %arg2[%swap3A_8, %swap3A_9, %swap3A_10] : memref<4x64x4096xf32, #tpu.memory_space<vmem>>, vector<1x64x2048xf32>
    %swap3A_12 = vector.shape_cast %swap3A_11 : vector<1x64x2048xf32> to vector<64x2048xf32>
    %swap3A_13 = vector.shape_cast %slice3A_7 : vector<64x2048xf32> to vector<1x64x2048xf32>
    tpu.vector_store %arg2[%swap3A_8, %swap3A_9, %swap3A_10], %swap3A_13 {strides = array<i32>} : memref<4x64x4096xf32, #tpu.memory_space<vmem>>, vector<1x64x2048xf32>,
    %slice3A_14 = vector.extract_strided_slice %transpose3A {offsets = [0, 2048], sizes = [64, 2048], strides = [1, 1]} : vector<128x8192xf32> to vector<64x2048xf32>
    %swap3A_15 = arith.constant 1 : index
    %swap3A_16 = arith.constant 0 : index
    %swap3A_17 = arith.constant 0 : index
    %swap3A_18 = vector.load %arg2[%swap3A_15, %swap3A_16, %swap3A_17] : memref<4x64x4096xf32, #tpu.memory_space<vmem>>, vector<1x64x2048xf32>
    %swap3A_19 = vector.shape_cast %swap3A_18 : vector<1x64x2048xf32> to vector<64x2048xf32>
    %swap3A_20 = vector.shape_cast %slice3A_14 : vector<64x2048xf32> to vector<1x64x2048xf32>
    tpu.vector_store %arg2[%swap3A_15, %swap3A_16, %swap3A_17], %swap3A_20 {strides = array<i32>} : memref<4x64x4096xf32, #tpu.memory_space<vmem>>, vector<1x64x2048xf32>,
    %slice3A_21 = vector.extract_strided_slice %transpose3A {offsets = [64, 2048], sizes = [64, 2048], strides = [1, 1]} : vector<128x8192xf32> to vector<64x2048xf32>
    %swap3A_22 = arith.constant 1 : index
    %swap3A_23 = arith.constant 0 : index
    %swap3A_24 = arith.constant 2048 : index
    %swap3A_25 = vector.load %arg2[%swap3A_22, %swap3A_23, %swap3A_24] : memref<4x64x4096xf32, #tpu.memory_space<vmem>>, vector<1x64x2048xf32>
    %swap3A_26 = vector.shape_cast %swap3A_25 : vector<1x64x2048xf32> to vector<64x2048xf32>
    %swap3A_27 = vector.shape_cast %slice3A_21 : vector<64x2048xf32> to vector<1x64x2048xf32>
    tpu.vector_store %arg2[%swap3A_22, %swap3A_23, %swap3A_24], %swap3A_27 {strides = array<i32>} : memref<4x64x4096xf32, #tpu.memory_space<vmem>>, vector<1x64x2048xf32>,
    %slice3A_28 = vector.extract_strided_slice %transpose3A {offsets = [0, 4096], sizes = [64, 2048], strides = [1, 1]} : vector<128x8192xf32> to vector<64x2048xf32>
    %swap3A_29 = arith.constant 2 : index
    %swap3A_30 = arith.constant 0 : index
    %swap3A_31 = arith.constant 0 : index
    %swap3A_32 = vector.load %arg2[%swap3A_29, %swap3A_30, %swap3A_31] : memref<4x64x4096xf32, #tpu.memory_space<vmem>>, vector<1x64x2048xf32>
    %swap3A_33 = vector.shape_cast %swap3A_32 : vector<1x64x2048xf32> to vector<64x2048xf32>
    %swap3A_34 = vector.shape_cast %slice3A_28 : vector<64x2048xf32> to vector<1x64x2048xf32>
    tpu.vector_store %arg2[%swap3A_29, %swap3A_30, %swap3A_31], %swap3A_34 {strides = array<i32>} : memref<4x64x4096xf32, #tpu.memory_space<vmem>>, vector<1x64x2048xf32>,
    %slice3A_35 = vector.extract_strided_slice %transpose3A {offsets = [64, 4096], sizes = [64, 2048], strides = [1, 1]} : vector<128x8192xf32> to vector<64x2048xf32>
    %swap3A_36 = arith.constant 2 : index
    %swap3A_37 = arith.constant 0 : index
    %swap3A_38 = arith.constant 2048 : index
    %swap3A_39 = vector.load %arg2[%swap3A_36, %swap3A_37, %swap3A_38] : memref<4x64x4096xf32, #tpu.memory_space<vmem>>, vector<1x64x2048xf32>
    %swap3A_40 = vector.shape_cast %swap3A_39 : vector<1x64x2048xf32> to vector<64x2048xf32>
    %swap3A_41 = vector.shape_cast %slice3A_35 : vector<64x2048xf32> to vector<1x64x2048xf32>
    tpu.vector_store %arg2[%swap3A_36, %swap3A_37, %swap3A_38], %swap3A_41 {strides = array<i32>} : memref<4x64x4096xf32, #tpu.memory_space<vmem>>, vector<1x64x2048xf32>,
    %slice3A_42 = vector.extract_strided_slice %transpose3A {offsets = [0, 6144], sizes = [64, 2048], strides = [1, 1]} : vector<128x8192xf32> to vector<64x2048xf32>
    %swap3A_43 = arith.constant 3 : index
    %swap3A_44 = arith.constant 0 : index
    %swap3A_45 = arith.constant 0 : index
    %swap3A_46 = vector.load %arg2[%swap3A_43, %swap3A_44, %swap3A_45] : memref<4x64x4096xf32, #tpu.memory_space<vmem>>, vector<1x64x2048xf32>
    %swap3A_47 = vector.shape_cast %swap3A_46 : vector<1x64x2048xf32> to vector<64x2048xf32>
    %swap3A_48 = vector.shape_cast %slice3A_42 : vector<64x2048xf32> to vector<1x64x2048xf32>
    tpu.vector_store %arg2[%swap3A_43, %swap3A_44, %swap3A_45], %swap3A_48 {strides = array<i32>} : memref<4x64x4096xf32, #tpu.memory_space<vmem>>, vector<1x64x2048xf32>,
    %slice3A_49 = vector.extract_strided_slice %transpose3A {offsets = [64, 6144], sizes = [64, 2048], strides = [1, 1]} : vector<128x8192xf32> to vector<64x2048xf32>
    %swap3A_50 = arith.constant 3 : index
    %swap3A_51 = arith.constant 0 : index
    %swap3A_52 = arith.constant 2048 : index
    %swap3A_53 = vector.load %arg2[%swap3A_50, %swap3A_51, %swap3A_52] : memref<4x64x4096xf32, #tpu.memory_space<vmem>>, vector<1x64x2048xf32>
    %swap3A_54 = vector.shape_cast %swap3A_53 : vector<1x64x2048xf32> to vector<64x2048xf32>
    %swap3A_55 = vector.shape_cast %slice3A_49 : vector<64x2048xf32> to vector<1x64x2048xf32>
    tpu.vector_store %arg2[%swap3A_50, %swap3A_51, %swap3A_52], %swap3A_55 {strides = array<i32>} : memref<4x64x4096xf32, #tpu.memory_space<vmem>>, vector<1x64x2048xf32>,
    return
  }
  func.func @transform_0(%arg0: i32) -> (i32, i32) {
    %c0_i32 = arith.constant 0 : i32
    %c0_i32_0 = arith.constant 0 : i32
    return %arg0, %c0_i32 : i32, i32
  }
  func.func @transform_1(%arg0: i32) -> (i32, i32, i32) {
    %c0_i32 = arith.constant 0 : i32
    %c0_i32_0 = arith.constant 0 : i32
    %c0_i32_1 = arith.constant 0 : i32
    return %arg0, %c0_i32, %c0_i32_0 : i32, i32, i32
  }
}

</mosaic_0001>

<sc_bundles>
// kernel: kernel.4.cloned.1.call-start
scs
__scs_entry_jumppad:
0x0: {  	(pc) =	sbr.rel $0x88, $3  }
0x1: {  	(tag) =	ssettag $0x0;
	lr =	simm.s32 $0x1  }
0x2: {  	[smem:$0x3F9F] =	sst lr;
	_ =	strace $0xD0000000  }
0x3: {  	_ = 	snop  }
0x4: {  	_ = 	snop  }
0x5: {  	_ = 	snop  }
0x6: {  	_ = 	snop  }
0x7: {  	_ = 	snop  }
__scs_overlays_trampoline_lowered:
0x8: {  	[smem:$0x3FAE] =	sst s0  }
0x9: {  	[smem:$0x3FAF] =	sst s1  }
0xa: {  	[smem:$0x3FB0] =	sst s2  }
0xb: {  	[smem:$0x3FB1] =	sst s3  }
0xc: {  	[smem:$0x3FB2] =	sst s4  }
0xd: {  	[smem:$0x3FB3] =	sst s5  }
0xe: {  	[smem:$0x3FB4] =	sst s6  }
0xf: {  	[smem:$0x3FB5] =	sst s7  }
0x10: {  	[smem:$0x3FB6] =	sst s8  }
0x11: {  	[smem:$0x3FB7] =	sst s9;
	s0 =	simm.s32 @!p0 $0x0  }
0x12: {  	s1 =	sld [smem:$0x3F9D];
	s0 =	simm.s32 @p0 $0x1  }
0x13: {  	[smem:$0x3FB8] =	sst s0;
	s0 =	simm.s32 @!p1 $0x0  }
0x14: {  	s2 =	sld [smem:$0x3F9C];
	s0 =	simm.s32 @p1 $0x1  }
0x15: {  	[smem:$0x3FB9] =	sst s0;
	s0 =	simm.s32 @!p2 $0x0  }
0x16: {  	s3 =	sld [smem:$0x3FDB];
	s0 =	simm.s32 @p2 $0x1  }
0x17: {  	s4 =	simm.s32 $0x1BF5;
	[smem:$0x3FBB] =	sst s0  }
0x18: {  	s0 =	sld [smem:$0x3F9E];
	_ =	swait.ge [sflag:s4], $0x0  }
0x19: {  	s7 =	sld [smem:$0x3F9F]  }
0x1a: {  	s8 =	sadd.s32 $0xFFFFE003, lr  }
0x1b: {  	s9 =	sadd.s32 $0xFFFFFEF7, lr;
	s5 =	simm.s32 $0xFFFFFFFF;
	p2 =	slt.u32 s8, $0xFFFFF086  }
0x1c: {  	p1 =	slt.u32 s9, $0xF7A;
	s5 =	simm.s32 @!p2 $0x0  }
0x1d: {  	s5 =	simm.s32 @p1 $0x1;
	p0 =	seq.s32 s7, s2  }
0x1e: {  	s7 =	smul.u32 @!p0 $0xF7A, s2;
	p2 =	seq.s32 @!p0 s5, $0x0  }
0x1f: {  	s9 =	smul.u32 $0xF7A, s1;
	s8 =	simm.s32 @!p0 $0x1BF5;
	p2 =	por !p2, p0  }
0x20: {  	[sflag:s8] =	ssyncset.s32 @!p0 $0xFFFFF086;
	s6 =	sadd.s32 @!p0 s3, s7;
	s7 =	simm.s32 @!p0 $0x108  }
0x21: {  	s3 =	sadd.s32 s3, s9;
	s6 =	sadd.s32 @!p0 $0x88, s6;
	s7 =	simm.s32 @p2 $0x1082  }
0x22: {  	[simem:s7], [sflag:s8] =	dma.local @!p0 [hbm:s6], $0xF7A  }
0x23: {  	s9 =	sor.u32 $0xD0000000, s2;
	s6 =	simm.s32 $0x108;
	_ =	swait.ge @!p0 [sflag:s8], $0x0  }
0x24: {  	s3 =	sadd.s32 $0x88, s3;
	s6 =	simm.s32 @!p1 $0x1082;
	[sflag:s4] =	ssyncset.s32 $0xFFFFF086  }
0x25: {  	[simem:s6], [sflag:s4] =	dma.local [hbm:s3], $0xF7A  }
0x26: {  	[smem:$0x3F9F] =	sst s1;
	(tag) =	ssettag s2;
	_ =	strace s9  }
0x27: {  	s1 =	sld [smem:$0x3FAF]  }
0x28: {  	s2 =	sld [smem:$0x3FB0]  }
0x29: {  	s4 =	sld [smem:$0x3FB2]  }
0x2a: {  	p0 =	seq.s32 s5, $0x0;
	s5 =	sld [smem:$0x3FB3]  }
0x2b: {  	s6 =	sld [smem:$0x3FB4]  }
0x2c: {  	s7 =	sld [smem:$0x3FB5]  }
0x2d: {  	s3 =	simm.s32 $0x108;
	s8 =	sld [smem:$0x3FB6]  }
0x2e: {  	s3 =	simm.s32 @!p0 $0x1082;
	s9 =	sld [smem:$0x3FB7]  }
0x2f: {  	lr =	sadd.s32 s0, s3;
	s0 =	sld [smem:$0x3FAE]  }
0x30: {  	s3 =	sld [smem:$0x3FB1]  }
0x31: {  	[smem:$0x3FBA] =	sst s10  }
0x32: {  	s10 =	sld [smem:$0x3FB8];
	_ =	sdelay $0x3  }
0x33: {  	p0 =	seq.s32 s10, $0x1;
	s10 =	sld [smem:$0x3FBA];
	_ =	sdelay $0x3  }
0x34: {  	[smem:$0x3FBA] =	sst s10  }
0x35: {  	s10 =	sld [smem:$0x3FB9];
	_ =	sdelay $0x3  }
0x36: {  	p1 =	seq.s32 s10, $0x1;
	s10 =	sld [smem:$0x3FBA];
	_ =	sdelay $0x3  }
0x37: {  	[smem:$0x3FBA] =	sst s10  }
0x38: {  	s10 =	sld [smem:$0x3FBB]  }
0x39: {  	_ = 	snop;
	(pc) =	sbr.ind lr, $3  }
0x3a: {  	_ = 	snop  }
0x3b: {  	_ = 	snop  }
0x3c: {  	p2 =	seq.s32 s10, $0x1;
	s10 =	sld [smem:$0x3FBA]  }
0x3d: {  	_ =	shalt  }
0x3e: {  	_ =	shalt  }
0x3f: {  	_ =	shalt  }
0x40: {  	_ =	shalt  }
0x41: {  	_ =	shalt  }
0x42: {  	_ =	shalt  }
0x43: {  	_ =	shalt  }
0x44: {  	_ =	shalt  }
0x45: {  	_ =	shalt  }
0x46: {  	_ =	shalt  }
0x47: {  	_ =	shalt  }
0x48: {  	_ =	shalt  }
0x49: {  	_ =	shalt  }
0x4a: {  	_ =	shalt  }
0x4b: {  	_ =	shalt  }
0x4c: {  	_ =	shalt  }
0x4d: {  	_ =	shalt  }
0x4e: {  	_ =	shalt  }
0x4f: {  	_ =	shalt  }
0x50: {  	_ =	shalt  }
0x51: {  	_ =	shalt  }
0x52: {  	_ =	shalt  }
0x53: {  	_ =	shalt  }
0x54: {  	_ =	shalt  }
0x55: {  	_ =	shalt  }
0x56: {  	_ =	shalt  }
0x57: {  	_ =	shalt  }
0x58: {  	_ =	shalt  }
0x59: {  	_ =	shalt  }
0x5a: {  	_ =	shalt  }
0x5b: {  	_ =	shalt  }
0x5c: {  	_ =	shalt  }
0x5d: {  	_ =	shalt  }
0x5e: {  	_ =	shalt  }
0x5f: {  	_ =	shalt  }
0x60: {  	_ =	shalt  }
0x61: {  	_ =	shalt  }
0x62: {  	_ =	shalt  }
0x63: {  	_ =	shalt  }
0x64: {  	_ =	shalt  }
0x65: {  	_ =	shalt  }
0x66: {  	_ =	shalt  }
0x67: {  	_ =	shalt  }
0x68: {  	_ =	shalt  }
0x69: {  	_ =	shalt  }
0x6a: {  	_ =	shalt  }
0x6b: {  	_ =	shalt  }
0x6c: {  	_ =	shalt  }
0x6d: {  	_ =	shalt  }
0x6e: {  	_ =	shalt  }
0x6f: {  	_ =	shalt  }
0x70: {  	_ =	shalt  }
0x71: {  	_ =	shalt  }
0x72: {  	_ =	shalt  }
0x73: {  	_ =	shalt  }
0x74: {  	_ =	shalt  }
0x75: {  	_ =	shalt  }
0x76: {  	_ =	shalt  }
0x77: {  	_ =	shalt  }
0x78: {  	_ =	shalt  }
0x79: {  	_ =	shalt  }
0x7a: {  	_ =	shalt  }
0x7b: {  	_ =	shalt  }
0x7c: {  	_ =	shalt  }
0x7d: {  	_ =	shalt  }
0x7e: {  	_ =	shalt  }
0x7f: {  	_ =	shalt  }
0x80: {  	_ =	shalt  }
0x81: {  	_ =	shalt  }
0x82: {  	_ =	shalt  }
0x83: {  	_ =	shalt  }
0x84: {  	_ =	shalt  }
0x85: {  	_ =	shalt  }
0x86: {  	_ =	shalt  }
0x87: {  	_ =	shalt  }
.Lfunc_end0:
.L_simem_size_0:
called_computation_lowered:
.L_overlay_start_0:
0x88: {  	s2 =	sld [smem:$0x3FD9]  }
0x89: {  	s3 =	sld [smem:$0x3FFE];
	_ =	sdelay $0x1  }
0x8a: {  	s1 =	srdreg.scid  }
0x8b: {  	s0 =	sand.u32 $0x1, s1  }
0x8c: {  	s16 =	sshll.u32 s0, $0xA;
	s2 =	sadd.s32 s3, s2  }
0x8d: {  	s2 =	sadd.s32 s2, s16  }
0x8e: {  	[smem:$0x3FC6] =	sst s2  }
0x8f: {  	_ = 	snop  }
0x90: {  	(tm) =	ssettm $0x1  }
0x91: {  	s17 =	sld [smem:$0x3FFB];
	_ =	sdelay $0x3  }
0x92: {  	_ =	strace s17  }
0x93: {  	s2 =	sld [smem:$0x3FFC];
	_ =	sdelay $0x3  }
0x94: {  	_ =	strace s2  }
0x95: {  	s2 =	sld [smem:$0x3FFD];
	_ =	sdelay $0x3  }
0x96: {  	_ =	strace s2  }
0x97: {  	_ =	strace $0x8FFFFFFF  }
0x98: {  	s18 =	sld [smem:$0x3FDB];
	_ =	sdelay $0x1  }
0x99: {  	s19 =	simm.s32 $_scs_section_size  }
0x9a: {  	s4 =	simm.s32 $_size__tile_overlayer_lowered;
	s5 =	simm.s32 $_tile_overlayer_lowered  }
0x9b: {  	s22 =	simm.s32 $0x1BFF;
	s21 =	sshll.u32 s5, $0x1;
	s2 =	sadd.s32 s19, s18  }
0x9c: {  	s6 =	simm.s32 $0x0;
	s20 =	sshll.u32 s4, $0x1;
	s4 =	sadd.s32 s21, s2  }
0x9d: {  	[timem:s6], [sflag:s22] =	dma.local [hbm:s4], s20  }
0x9e: {  	_ =	swait.ge [sflag:s22], s20  }
0x9f: {  	s3 =	ssub.s32 $0x0, s20;
	[sflag:s22] =	ssyncset.done $0x0  }
0xa0: {  	[sflag:s22] =	ssyncadd.s32 s3;
	_ =	sdelay $0x1  }
0xa1: {  	s23 =	simm.s32 $0x1B8B  }
0xa2: {  	_ =	swait.ge [sflag:s23], $0x1  }
0xa3: {  	[sflag:s23] =	ssyncset.done $0x0  }
0xa4: {  	s25 =	simm.s32 $0x1B8E;
	s24 =	sld [smem:$0x3FFE];
	[sflag:s23] =	ssyncadd.s32 $0xFFFFFFFF  }
0xa5: {  	s26 =	simm.s32 $execute0_lowered;
	[smem:$0x3FD2] =	sst s25  }
0xa6: {  	s4 =	sshll.u32 s26, $0x1;
	_ =	strace $0x80000046;
	[dreg:$0x1] =	wrdreg $0xFFFFFFFF  }
0xa7: {  	s28 =	simm.s32 $_size_execute0_lowered;
	s2 =	sadd.s32 s2, s4;
	[dreg:$0x0] =	wrdreg $0x0  }
0xa8: {  	s4 =	sshll.u32 s28, $0x1;
	[dreg:$0x2] =	wrdreg s2  }
0xa9: {  	[dreg:$0x3] =	wrdreg s4  }
0xaa: {  	[dreg:$0x4] =	wrdreg $0xC0  }
0xab: {  	_ =	task [dreg:s6], $0x5FFFF  }
0xac: {  	[dreg:$0x1] =	wrdreg $0xFFFFFFFF  }
0xad: {  	[dreg:$0x0] =	wrdreg $0x60  }
0xae: {  	[dreg:$0x2] =	wrdreg s24  }
0xaf: {  	[dreg:$0x3] =	wrdreg $0x9  }
0xb0: {  	_ =	task.clear_ibuf [dreg:s6], $0x4FFFF;
	_ =	strace $0x90000046  }
0xb1: {  	s29 =	simm.s32 $0x9;
	_ =	strace $0x80000048  }
0xb2: {  	_ =	swait.ge [sflag:s29], $0x1  }
0xb3: {  	[sflag:s29] =	ssyncadd.s32 $0xFFFFFFFF  }
0xb4: {  	_ =	strace $0x90000048  }
0xb5: {  	_ =	sfence  }
0xb6: {  	s30 =	sld [smem:$0x0];
	_ =	sdelay $0x2  }
0xb7: {  	s31 =	sshll.u32 s1, $0xD;
	s1 =	sshrl.u32 s1, $0x2  }
0xb8: {  	s3 =	sand.u32 $0x4000, s31;
	s1 =	sadd.s32 s1, s30  }
0xb9: {  	s0 =	sor.u32 s3, s0;
	s1 =	sshll.u32 s1, $0x11  }
0xba: {  	s0 =	sor.u32 s1, s0  }
0xbb: {  	s0 =	sadd.s32 $0x8F2B, s0  }
0xbc: {  	[sflag:s0] =	ssyncadd.remote.s32 $0x1  }
0xbd: {  	_ =	sfence.sel $0xFFFF  }
0xbe: {  	[dreg:$0x0] =	wrdreg $0xFFFFFFFF;
	(pc) =	sbr.abs _section_cstart, $3  }
0xbf: {  	[dreg:$0x1] =	wrdreg $0xFFFFFFFF  }
0xc0: {  	_ =	task.clear_ibuf [dreg:s6], $0x2FFFF;
	_ =	strace $0x9FFFFFFF  }
0xc1: {  	(tm) =	ssettm $0x7FFFFFFF  }
tec
execute0_lowered:
.L_overlay_start_1:
0x0: {  	(tag) =	ssettag $0x1  }
0x1: {  	s1 =	srdreg.scid  }
0x2: {  	s0 =	stileid.u32;
	s4 =	rddreg [dreg:$0x0]  }
0x3: {  	s2 =	simm.s32 $0x0;
	s13 =	simm.s32 $0xE400;
	s14 =	simm.s32 $0x1  }
0x4: {  	s15 =	simm.s32 $0x3;
	s16 =	simm.s32 $0x2;
	s17 =	simm.s32 $0x4  }
0x5: {  	s18 =	simm.s32 $0x0;
	s3 =	sand.u32 $0x1, s1;
	s1 =	rddreg [dreg:$0x1]  }
0x6: {  	s5 =	sshll.u32 s0, $0x1;
	[smem:$0x7FF] =	sst s2;
	s9 =	smul.u32 $0xC800, s0  }
0x7: {  	s12 =	sadd.s32 $0xDCA00, s4;
	s5 =	sor.u32 s3, s5;
	s11 =	smul.u32 $0x6400, s3  }
0x8: {  	_ =	strace $0x80000047;
	s8 =	ssub.s32 $0x2, s3;
	s6 =	smul.u32 $0x6400, s5  }
0x9: {  	s3 =	sadd.s32 $0x400, s4;
	s7 =	smul.u32 $0x190000, s5;
	s10 =	sshrl.u32 s8, $0x1  }
0xa: {  	s5 =	smul.u32 $0x32000, s5;
	s8 =	ssub.s32 s8, s10;
	s9 =	sadd.s32 s11, s9  }
0xb: {  	s10 =	simm.s32 $0x5;
	s11 =	simm.s32 $0x200;
	s6 =	sshrl.u32 s6, $0x3  }
0xc: {  	s7 =	sshrl.u32 s7, $0x3;
	s31 =	sshll.u32 s9, $0x3;
	s5 =	sadd.s32 s12, s5  }
0xd: {  	s6 =	sadd.s32 s6, s4;
	s30 =	sadd.s32 s12, s7;
	s9 =	sadd.s32 s12, s31  }
0xe: {  	s7 =	smax.u32 s8, $0x1;
	s12 =	simm.s32 $0x6400;
	s4 =	sadd.s32 $0xC3A00, s6  }
0xf: {  	s6 =	sadd.s32 $0x31000, s30;
	s8 =	sadd.s32 $0x1000, s9;
	s9 =	sadd.s32 $0x2000, s9  }
.LBB2_1:
0x10: {  	[tilespmem:s2], [sflag:$0x5] =	stream.linear.gather [hbm4b:s4+s2], $0x6400, $0x38;
	[tilespmem:$0x16400] =	vst v63  }
0x11: {  	_ =	swait.ge [sflag:s10], $0x6400  }
0x12: {  	[sflag:s10] =	ssyncset.done $0x0  }
0x13: {  	[sflag:s10] =	ssyncadd.s32 $0xFFFF9C00  }
0x14: {  	[tilespmem:s12], [sflag:$0x1] =	stream.indirect.gather [hbm4b:s3+s11], $0x40, s2, s11, $0xb8;
	[tilespmem:$0x16400] =	vst v63  }
0x15: {  	_ = 	snop  }
0x16: {  	[tilespmem:s13], [sflag:$0x2] =	stream.indirect.gather [hbm4b:s3+s11], $0x40, s11, s11, $0xb8;
	[tilespmem:$0x16400] =	vst v63  }
0x17: {  	_ =	swait.ge [sflag:s14], $0x8000  }
0x18: {  	[sflag:s14] =	ssyncset.done $0x0  }
0x19: {  	[sflag:s14] =	ssyncadd.s32 $0xFFFF8000  }
0x1a: {  	[hbm4b:s5+s2] =	stream.linear.scatter [tilespmem:s12], [sflag:$0x3], $0x8000, $0x38;
	[tilespmem:$0x16400] =	vst v63  }
0x1b: {  	_ =	swait.ge [sflag:s15], $0x8000  }
0x1c: {  	[sflag:s15] =	ssyncset.done $0x0  }
0x1d: {  	s19 =	simm.s32 $0x400;
	[sflag:s15] =	ssyncadd.s32 $0xFFFF8000  }
0x1e: {  	[tilespmem:s12], [sflag:$0x1] =	stream.indirect.gather [hbm4b:s3+s11], $0x40, s19, s11, $0xb8;
	[tilespmem:$0x16400] =	vst v63  }
0x1f: {  	_ =	swait.ge [sflag:s16], $0x8000  }
0x20: {  	[sflag:s16] =	ssyncset.done $0x0  }
0x21: {  	s30 =	sadd.s32 $0x0, s8;
	[sflag:s16] =	ssyncadd.s32 $0xFFFF8000  }
0x22: {  	[hbm4b:s30+s2] =	stream.linear.scatter [tilespmem:s13], [sflag:$0x4], $0x8000, $0x38;
	[tilespmem:$0x16400] =	vst v63  }
0x23: {  	_ =	swait.ge [sflag:s17], $0x8000  }
0x24: {  	[sflag:s17] =	ssyncset.done $0x0  }
0x25: {  	s31 =	simm.s32 $0x600;
	[sflag:s17] =	ssyncadd.s32 $0xFFFF8000  }
0x26: {  	[tilespmem:s13], [sflag:$0x2] =	stream.indirect.gather [hbm4b:s3+s11], $0x40, s31, s11, $0xb8;
	[tilespmem:$0x16400] =	vst v63  }
0x27: {  	_ =	swait.ge [sflag:s14], $0x8000  }
0x28: {  	s21 =	sadd.s32 $0x0, s9;
	[sflag:s14] =	ssyncset.done $0x0  }
0x29: {  	s20 =	simm.s32 $0xA00;
	s19 =	simm.s32 $0x2000;
	[sflag:s14] =	ssyncadd.s32 $0xFFFF8000  }
.LBB2_2:
0x2a: {  	[hbm4b:s21+s2] =	stream.linear.scatter [tilespmem:s12], [sflag:$0x3], $0x8000, $0x38;
	[tilespmem:$0x16400] =	vst v63  }
0x2b: {  	s21 =	smov.u32 s19  }
0x2c: {  	p0 =	sne.s32 s19, $0x2E000;
	s19 =	sadd.s32 $0x2000, s19;
	_ =	swait.ge [sflag:s15], $0x8000  }
0x2d: {  	[sflag:s15] =	ssyncset.done $0x0  }
0x2e: {  	s22 =	sadd.s32 $0xFFFFFE00, s20;
	[sflag:s15] =	ssyncadd.s32 $0xFFFF8000  }
0x2f: {  	[tilespmem:s12], [sflag:$0x1] =	stream.indirect.gather [hbm4b:s3+s11], $0x40, s22, s11, $0xb8;
	[tilespmem:$0x16400] =	vst v63  }
0x30: {  	_ =	swait.ge [sflag:s16], $0x8000  }
0x31: {  	[sflag:s16] =	ssyncset.done $0x0  }
0x32: {  	s22 =	sadd.s32 s21, s8;
	[sflag:s16] =	ssyncadd.s32 $0xFFFF8000  }
0x33: {  	[hbm4b:s22+s2] =	stream.linear.scatter [tilespmem:s13], [sflag:$0x4], $0x8000, $0x38;
	[tilespmem:$0x16400] =	vst v63  }
0x34: {  	_ =	swait.ge [sflag:s17], $0x8000  }
0x35: {  	[sflag:s17] =	ssyncset.done $0x0  }
.Ltmp0:
0x36: {  	[sflag:s17] =	ssyncadd.s32 $0xFFFF8000;
	(pc) =	sbr.rel @p0 .LBB2_2-.Ltmp0, $4  }
0x37: {  	[tilespmem:s13], [sflag:$0x2] =	stream.indirect.gather [hbm4b:s3+s11], $0x40, s20, s11, $0xb8;
	[tilespmem:$0x16400] =	vst v63  }
0x38: {  	_ =	swait.ge [sflag:s14], $0x8000  }
0x39: {  	[sflag:s14] =	ssyncset.done $0x0  }
0x3a: {  	s21 =	sadd.s32 s21, s9;
	s20 =	sadd.s32 $0x400, s20;
	[sflag:s14] =	ssyncadd.s32 $0xFFFF8000  }
0x3b: {  	[hbm4b:s21+s2] =	stream.linear.scatter [tilespmem:s12], [sflag:$0x3], $0x8000, $0x38;
	[tilespmem:$0x16400] =	vst v63  }
0x3c: {  	_ =	swait.ge [sflag:s15], $0x8000  }
0x3d: {  	[sflag:s15] =	ssyncset.done $0x0  }
0x3e: {  	[sflag:s15] =	ssyncadd.s32 $0xFFFF8000  }
0x3f: {  	s18 =	sadd.s32 $0x1, s18;
	_ =	swait.ge [sflag:s16], $0x8000  }
0x40: {  	p0 =	sne.s32 s18, s7;
	[sflag:s16] =	ssyncset.done $0x0  }
.Ltmp1:
0x41: {  	[sflag:s16] =	ssyncadd.s32 $0xFFFF8000;
	(pc) =	sbr.rel @p0 .LBB2_1-.Ltmp1, $4  }
0x42: {  	[hbm4b:s6+s2] =	stream.linear.scatter [tilespmem:s13], [sflag:$0x4], $0x8000, $0x38;
	[tilespmem:$0x16400] =	vst v63  }
0x43: {  	_ =	swait.ge [sflag:s17], $0x8000  }
0x44: {  	[sflag:s17] =	ssyncset.done $0x0  }
0x45: {  	[sflag:s17] =	ssyncadd.s32 $0xFFFF8000  }
0x46: {  	_ =	sfence.sel $0x180000  }
0x47: {  	[bflag:$0x0] =	sbarrier.arrive $0xFFFF  }
0x48: {  	p0 =	sne.s32 s0, $0x0;
	_ =	strace $0x90000047  }
0x49: {  	s0 =	sadd.s32 @!p0 $0x100000, s1;
	[bflag:$0x2] =	sbarrier.arrive $0xFFFF  }
0x4a: {  	[sflag:s0] =	ssyncadd.tile.s32 @!p0 $0x1;
	_ =	shalt  }
.Lfunc_end2:
_tile_overlayer_lowered:
.L_overlay_start_2:
0x4b: {  	(tag) =	ssettag $0x2  }
0x4c: {  	s0 =	rddreg [dreg:$0x0];
	s2 =	stileid.u32  }
0x4d: {  	s1 =	rddreg [dreg:$0x1];
	p0 =	sne.s32 s2, $0x0  }
0x4e: {  	s3 =	rddreg [dreg:$0x2];
	[bflag:$0x3] =	sbarrier.arrive $0xFFFF;
	s2 =	simm.s32 @!p0 $0x1C05  }
0x4f: {  	[timem:s3], [sflag:s2] =	dma.local @!p0 [hbm:s0], s1  }
0x50: {  	s0 =	simm.s32 @!p0 $0x5  }
0x51: {  	_ =	swait.ge @!p0 [sflag:s0], s1  }
0x52: {  	s1 =	ssub.s32 @!p0 $0x0, s1;
	[sflag:s0] =	ssyncset.done @!p0 $0x0  }
0x53: {  	[sflag:s0] =	ssyncadd.s32 @!p0 s1  }
0x54: {  	[bflag:$0x3] =	sbarrier.arrive $0xFFFF  }
0x55: {  	_ =	shalt  }

</sc_bundles>
